<compile_context>
chip_gen: v7x
topology: tpu7x:2x2x1
jax: 0.10.2.dev20260603
libtpu: 0.0.44.dev20260713+nightly
codegen_flags: <defaults>
</compile_context>

<pallas_src>
import jax
import jax.numpy as jnp
from jax import lax
from jax.experimental import pallas as pl
from jax.experimental.pallas import tpu as pltpu
from jax.experimental.pallas import tpu_sc as plsc

_B = 4
_D = 256
_H = 32
_W = 32
_ROWS_PER_B = _H * _W


def _body(ce_hbm, re_hbm, out_hbm, ce_v, re_v, buf, sem):
    wid = lax.axis_index("s") * 2 + lax.axis_index("c")

    pltpu.sync_copy(ce_hbm.at[pl.ds(0, _W)], ce_v)
    pltpu.sync_copy(re_hbm.at[pl.ds(wid, 1)], re_v)

    rv = [re_v[0, pl.ds(k * 16, 16)] for k in range(_D // 16)]

    def fill(j, _):
        for k in range(_D // 16):
            buf[j, pl.ds(k * 16, 16)] = rv[k]
        return 0

    for b in range(_B):
        pltpu.async_copy(
            ce_v, out_hbm.at[b, pl.ds(wid * _W, _W), pl.ds(0, _D)], sem
        )
    lax.fori_loop(0, _W, fill, 0)
    for b in range(_B):
        pltpu.async_copy(
            buf, out_hbm.at[b, pl.ds(wid * _W, _W), pl.ds(_D, _D)], sem
        )
    for b in range(_B):
        pltpu.make_async_copy(
            ce_v, out_hbm.at[b, pl.ds(wid * _W, _W), pl.ds(0, _D)], sem
        ).wait()
        pltpu.make_async_copy(
            buf, out_hbm.at[b, pl.ds(wid * _W, _W), pl.ds(_D, _D)], sem
        ).wait()


@jax.jit
def _pos_sc(ce, re):
    mesh = plsc.VectorSubcoreMesh(core_axis_name="c", subcore_axis_name="s")
    pk = pl.kernel(
        _body,
        out_type=jax.ShapeDtypeStruct((_B, _ROWS_PER_B, 2 * _D), jnp.float32),
        mesh=mesh,
        scratch_types=[
            pltpu.VMEM((_H, _D), jnp.float32),
            pltpu.VMEM((1, _D), jnp.float32),
            pltpu.VMEM((_W, _D), jnp.float32),
            pltpu.SemaphoreType.DMA,
        ],
    )(ce, re)
    return jnp.transpose(pk.reshape(_B, _H, _W, 2 * _D), (0, 3, 1, 2))


def kernel(tensors, row_embed, col_embed):
    return _pos_sc(col_embed, row_embed)

# --- scband reference (transcript-rebuilt; emitter-appended) ---
"""Pipeline reference for scband-position-embedding-learned-40467181863293 (READ-ONLY COPY).

The authoritative reference and input builder live on the scoring server;
editing this copy changes nothing except your own understanding.
"""

import jax, jax.numpy as jnp
import numpy as np


def setup_inputs(seed: int = 0) -> dict:
    key = jax.random.key(seed)
    k1, k2, k3 = jax.random.split(key, 3)
    tensors = jax.random.normal(k1, (4, 256, 32, 32), dtype=jnp.float32)
    # learned embedding tables, init uniform as in reset_parameters
    row_embed = jax.random.uniform(k2, (50, 256), dtype=jnp.float32)
    col_embed = jax.random.uniform(k3, (50, 256), dtype=jnp.float32)
    return {"tensors": tensors, "row_embed": row_embed, "col_embed": col_embed}


def reference(tensors, row_embed, col_embed):
    b = tensors.shape[0]
    h, w = tensors.shape[-2], tensors.shape[-1]
    i = jnp.arange(w)
    j = jnp.arange(h)
    x_emb = jnp.take(col_embed, i, axis=0)  # [w, d]
    y_emb = jnp.take(row_embed, j, axis=0)  # [h, d]
    x_t = jnp.tile(x_emb[None, :, :], (h, 1, 1))      # [h, w, d]
    y_t = jnp.tile(y_emb[:, None, :], (1, w, 1))      # [h, w, d]
    pos = jnp.concatenate([x_t, y_t], axis=-1)         # [h, w, 2d]
    pos = jnp.transpose(pos, (2, 0, 1))[None]          # [1, 2d, h, w]
    pos = jnp.tile(pos, (b, 1, 1, 1))                  # [b, 2d, h, w]
    return pos

if __name__ == "__main__":
    import jax
    _d = setup_inputs()
    print(jax.jit(kernel)(*tuple(_d.values())))

</pallas_src>

<mosaic_0001>
#map = affine_map<(d0, d1) -> (0, 0)>
#map1 = affine_map<(d0, d1) -> (0, 0, 0)>
module attributes {stable_mosaic.version = 14 : i64} {
  func.func @_body(%arg0: i32, %arg1: i32, %arg2: memref<50x256xf32, #tpu.memory_space<hbm>>, %arg3: memref<50x256xf32, #tpu.memory_space<hbm>>, %arg4: memref<4x1024x512xf32, #tpu.memory_space<hbm>>, %arg5: memref<32x256xf32, #tpu.memory_space<vmem>>, %arg6: memref<1x256xf32, #tpu.memory_space<vmem>>, %arg7: memref<32x256xf32, #tpu.memory_space<vmem>>, %arg8: memref<!tpu.dma_semaphore, #tpu.memory_space<semaphore_mem>>) attributes {dimension_semantics = [#tpu.dimension_semantics<core_parallel>, #tpu.dimension_semantics<subcore_parallel>], iteration_bounds = array<i64: 2, 16>, scalar_prefetch = 0 : i64, scratch_operands = 4 : i64, tpu.core_type = #tpu.core_type<sc_vector_subcore>, window_params = [{transform_indices = #map}, {transform_indices = #map}, {transform_indices = #map1}]} {
    %mul3A = arith.constant 2 : i32
    %mul3A_0 = arith.muli %arg1, %mul3A : i32
    %add3A = arith.addi %mul3A_0, %arg0 : i32
    "tpu.region"() ({
      %run_scoped3A = tpu.sem_alloc : memref<!tpu.dma_semaphore, #tpu.memory_space<semaphore_mem>>
      %dma_start3A_228 = arith.constant 0 : i32
      %dma_start3A_229 = arith.constant 0 : i32
      %dma_start3A_230 = tpu.memref_slice %arg2[%dma_start3A_228, %dma_start3A_229] : memref<50x256xf32, #tpu.memory_space<hbm>> -> memref<32x256xf32, #tpu.memory_space<hbm>>
      %dma_start3A_231 = arith.constant 0 : i32
      %dma_start3A_232 = arith.constant 0 : i32
      %dma_start3A_233 = tpu.memref_slice %arg2[%dma_start3A_231, %dma_start3A_232] : memref<50x256xf32, #tpu.memory_space<hbm>> -> memref<32x256xf32, #tpu.memory_space<hbm>>
      tpu.enqueue_dma source(%dma_start3A_233 : memref<32x256xf32, #tpu.memory_space<hbm>>) target(%arg5 : memref<32x256xf32, #tpu.memory_space<vmem>>) target_semaphore(%run_scoped3A : memref<!tpu.dma_semaphore, #tpu.memory_space<semaphore_mem>>)
      %dma_wait3A_234 = arith.constant 0 : i32
      %dma_wait3A_235 = arith.constant 0 : i32
      %dma_wait3A_236 = tpu.memref_slice %arg2[%dma_wait3A_234, %dma_wait3A_235] : memref<50x256xf32, #tpu.memory_space<hbm>> -> memref<32x256xf32, #tpu.memory_space<hbm>>
      %dma_wait3A_237 = arith.constant 0 : i32
      %dma_wait3A_238 = arith.constant 0 : i32
      %dma_wait3A_239 = tpu.memref_slice %arg2[%dma_wait3A_237, %dma_wait3A_238] : memref<50x256xf32, #tpu.memory_space<hbm>> -> memref<32x256xf32, #tpu.memory_space<hbm>>
      tpu.wait_dma2 semaphore(%run_scoped3A : memref<!tpu.dma_semaphore, #tpu.memory_space<semaphore_mem>>) src(%dma_wait3A_239 : memref<32x256xf32, #tpu.memory_space<hbm>>) dst(%arg5 : memref<32x256xf32, #tpu.memory_space<vmem>>)
      tpu.yield
    }) : () -> ()
    "tpu.region"() ({
      %run_scoped3A = tpu.sem_alloc : memref<!tpu.dma_semaphore, #tpu.memory_space<semaphore_mem>>
      %dma_start3A_228 = arith.constant 0 : i32
      %dma_start3A_229 = tpu.memref_slice %arg3[%add3A, %dma_start3A_228] : memref<50x256xf32, #tpu.memory_space<hbm>> -> memref<1x256xf32, #tpu.memory_space<hbm>>
      %dma_start3A_230 = arith.constant 0 : i32
      %dma_start3A_231 = tpu.memref_slice %arg3[%add3A, %dma_start3A_230] : memref<50x256xf32, #tpu.memory_space<hbm>> -> memref<1x256xf32, #tpu.memory_space<hbm>>
      tpu.enqueue_dma source(%dma_start3A_231 : memref<1x256xf32, #tpu.memory_space<hbm>>) target(%arg6 : memref<1x256xf32, #tpu.memory_space<vmem>>) target_semaphore(%run_scoped3A : memref<!tpu.dma_semaphore, #tpu.memory_space<semaphore_mem>>)
      %dma_wait3A_232 = arith.constant 0 : i32
      %dma_wait3A_233 = tpu.memref_slice %arg3[%add3A, %dma_wait3A_232] : memref<50x256xf32, #tpu.memory_space<hbm>> -> memref<1x256xf32, #tpu.memory_space<hbm>>
      %dma_wait3A_234 = arith.constant 0 : i32
      %dma_wait3A_235 = tpu.memref_slice %arg3[%add3A, %dma_wait3A_234] : memref<50x256xf32, #tpu.memory_space<hbm>> -> memref<1x256xf32, #tpu.memory_space<hbm>>
      tpu.wait_dma2 semaphore(%run_scoped3A : memref<!tpu.dma_semaphore, #tpu.memory_space<semaphore_mem>>) src(%dma_wait3A_235 : memref<1x256xf32, #tpu.memory_space<hbm>>) dst(%arg6 : memref<1x256xf32, #tpu.memory_space<vmem>>)
      tpu.yield
    }) : () -> ()
    %get3A = arith.constant 0 : i32
    %get3A_1 = arith.index_cast %get3A : i32 to index
    %get3A_2 = arith.constant 0 : index
    %get3A_3 = tpu.vector_load %arg6[%get3A_1, %get3A_2] {strides = array<i32>} : memref<1x256xf32, #tpu.memory_space<vmem>>, vector<1x16xf32>,
    %get3A_4 = vector.shape_cast %get3A_3 : vector<1x16xf32> to vector<16xf32>
    %get3A_5 = arith.constant 0 : i32
    %get3A_6 = arith.index_cast %get3A_5 : i32 to index
    %get3A_7 = arith.constant 16 : index
    %get3A_8 = tpu.vector_load %arg6[%get3A_6, %get3A_7] {strides = array<i32>} : memref<1x256xf32, #tpu.memory_space<vmem>>, vector<1x16xf32>,
    %get3A_9 = vector.shape_cast %get3A_8 : vector<1x16xf32> to vector<16xf32>
    %get3A_10 = arith.constant 0 : i32
    %get3A_11 = arith.index_cast %get3A_10 : i32 to index
    %get3A_12 = arith.constant 32 : index
    %get3A_13 = tpu.vector_load %arg6[%get3A_11, %get3A_12] {strides = array<i32>} : memref<1x256xf32, #tpu.memory_space<vmem>>, vector<1x16xf32>,
    %get3A_14 = vector.shape_cast %get3A_13 : vector<1x16xf32> to vector<16xf32>
    %get3A_15 = arith.constant 0 : i32
    %get3A_16 = arith.index_cast %get3A_15 : i32 to index
    %get3A_17 = arith.constant 48 : index
    %get3A_18 = tpu.vector_load %arg6[%get3A_16, %get3A_17] {strides = array<i32>} : memref<1x256xf32, #tpu.memory_space<vmem>>, vector<1x16xf32>,
    %get3A_19 = vector.shape_cast %get3A_18 : vector<1x16xf32> to vector<16xf32>
    %get3A_20 = arith.constant 0 : i32
    %get3A_21 = arith.index_cast %get3A_20 : i32 to index
    %get3A_22 = arith.constant 64 : index
    %get3A_23 = tpu.vector_load %arg6[%get3A_21, %get3A_22] {strides = array<i32>} : memref<1x256xf32, #tpu.memory_space<vmem>>, vector<1x16xf32>,
    %get3A_24 = vector.shape_cast %get3A_23 : vector<1x16xf32> to vector<16xf32>
    %get3A_25 = arith.constant 0 : i32
    %get3A_26 = arith.index_cast %get3A_25 : i32 to index
    %get3A_27 = arith.constant 80 : index
    %get3A_28 = tpu.vector_load %arg6[%get3A_26, %get3A_27] {strides = array<i32>} : memref<1x256xf32, #tpu.memory_space<vmem>>, vector<1x16xf32>,
    %get3A_29 = vector.shape_cast %get3A_28 : vector<1x16xf32> to vector<16xf32>
    %get3A_30 = arith.constant 0 : i32
    %get3A_31 = arith.index_cast %get3A_30 : i32 to index
    %get3A_32 = arith.constant 96 : index
    %get3A_33 = tpu.vector_load %arg6[%get3A_31, %get3A_32] {strides = array<i32>} : memref<1x256xf32, #tpu.memory_space<vmem>>, vector<1x16xf32>,
    %get3A_34 = vector.shape_cast %get3A_33 : vector<1x16xf32> to vector<16xf32>
    %get3A_35 = arith.constant 0 : i32
    %get3A_36 = arith.index_cast %get3A_35 : i32 to index
    %get3A_37 = arith.constant 112 : index
    %get3A_38 = tpu.vector_load %arg6[%get3A_36, %get3A_37] {strides = array<i32>} : memref<1x256xf32, #tpu.memory_space<vmem>>, vector<1x16xf32>,
    %get3A_39 = vector.shape_cast %get3A_38 : vector<1x16xf32> to vector<16xf32>
    %get3A_40 = arith.constant 0 : i32
    %get3A_41 = arith.index_cast %get3A_40 : i32 to index
    %get3A_42 = arith.constant 128 : index
    %get3A_43 = tpu.vector_load %arg6[%get3A_41, %get3A_42] {strides = array<i32>} : memref<1x256xf32, #tpu.memory_space<vmem>>, vector<1x16xf32>,
    %get3A_44 = vector.shape_cast %get3A_43 : vector<1x16xf32> to vector<16xf32>
    %get3A_45 = arith.constant 0 : i32
    %get3A_46 = arith.index_cast %get3A_45 : i32 to index
    %get3A_47 = arith.constant 144 : index
    %get3A_48 = tpu.vector_load %arg6[%get3A_46, %get3A_47] {strides = array<i32>} : memref<1x256xf32, #tpu.memory_space<vmem>>, vector<1x16xf32>,
    %get3A_49 = vector.shape_cast %get3A_48 : vector<1x16xf32> to vector<16xf32>
    %get3A_50 = arith.constant 0 : i32
    %get3A_51 = arith.index_cast %get3A_50 : i32 to index
    %get3A_52 = arith.constant 160 : index
    %get3A_53 = tpu.vector_load %arg6[%get3A_51, %get3A_52] {strides = array<i32>} : memref<1x256xf32, #tpu.memory_space<vmem>>, vector<1x16xf32>,
    %get3A_54 = vector.shape_cast %get3A_53 : vector<1x16xf32> to vector<16xf32>
    %get3A_55 = arith.constant 0 : i32
    %get3A_56 = arith.index_cast %get3A_55 : i32 to index
    %get3A_57 = arith.constant 176 : index
    %get3A_58 = tpu.vector_load %arg6[%get3A_56, %get3A_57] {strides = array<i32>} : memref<1x256xf32, #tpu.memory_space<vmem>>, vector<1x16xf32>,
    %get3A_59 = vector.shape_cast %get3A_58 : vector<1x16xf32> to vector<16xf32>
    %get3A_60 = arith.constant 0 : i32
    %get3A_61 = arith.index_cast %get3A_60 : i32 to index
    %get3A_62 = arith.constant 192 : index
    %get3A_63 = tpu.vector_load %arg6[%get3A_61, %get3A_62] {strides = array<i32>} : memref<1x256xf32, #tpu.memory_space<vmem>>, vector<1x16xf32>,
    %get3A_64 = vector.shape_cast %get3A_63 : vector<1x16xf32> to vector<16xf32>
    %get3A_65 = arith.constant 0 : i32
    %get3A_66 = arith.index_cast %get3A_65 : i32 to index
    %get3A_67 = arith.constant 208 : index
    %get3A_68 = tpu.vector_load %arg6[%get3A_66, %get3A_67] {strides = array<i32>} : memref<1x256xf32, #tpu.memory_space<vmem>>, vector<1x16xf32>,
    %get3A_69 = vector.shape_cast %get3A_68 : vector<1x16xf32> to vector<16xf32>
    %get3A_70 = arith.constant 0 : i32
    %get3A_71 = arith.index_cast %get3A_70 : i32 to index
    %get3A_72 = arith.constant 224 : index
    %get3A_73 = tpu.vector_load %arg6[%get3A_71, %get3A_72] {strides = array<i32>} : memref<1x256xf32, #tpu.memory_space<vmem>>, vector<1x16xf32>,
    %get3A_74 = vector.shape_cast %get3A_73 : vector<1x16xf32> to vector<16xf32>
    %get3A_75 = arith.constant 0 : i32
    %get3A_76 = arith.index_cast %get3A_75 : i32 to index
    %get3A_77 = arith.constant 240 : index
    %get3A_78 = tpu.vector_load %arg6[%get3A_76, %get3A_77] {strides = array<i32>} : memref<1x256xf32, #tpu.memory_space<vmem>>, vector<1x16xf32>,
    %get3A_79 = vector.shape_cast %get3A_78 : vector<1x16xf32> to vector<16xf32>
    %mul3A_80 = arith.constant 32 : i32
    %mul3A_81 = arith.muli %add3A, %mul3A_80 : i32
    %dma_start3A = arith.constant 0 : i32
    %dma_start3A_82 = arith.constant 0 : i32
    %dma_start3A_83 = tpu.memref_slice %arg4[%dma_start3A, %mul3A_81, %dma_start3A_82] : memref<4x1024x512xf32, #tpu.memory_space<hbm>> -> memref<1x32x256xf32, #tpu.memory_space<hbm>>
    %dma_start3A_84 = tpu.memref_squeeze %dma_start3A_83 : memref<1x32x256xf32, #tpu.memory_space<hbm>> -> memref<32x256xf32, #tpu.memory_space<hbm>>
    %dma_start3A_85 = arith.constant 0 : i32
    %dma_start3A_86 = tpu.memref_slice %arg4[%dma_start3A, %mul3A_81, %dma_start3A_85] : memref<4x1024x512xf32, #tpu.memory_space<hbm>> -> memref<1x32x256xf32, #tpu.memory_space<hbm>>
    %dma_start3A_87 = tpu.memref_squeeze %dma_start3A_86 : memref<1x32x256xf32, #tpu.memory_space<hbm>> -> memref<32x256xf32, #tpu.memory_space<hbm>>
    tpu.enqueue_dma source(%arg5 : memref<32x256xf32, #tpu.memory_space<vmem>>) target(%dma_start3A_87 : memref<32x256xf32, #tpu.memory_space<hbm>>) target_semaphore(%arg8 : memref<!tpu.dma_semaphore, #tpu.memory_space<semaphore_mem>>)
    %mul3A_88 = arith.constant 32 : i32
    %mul3A_89 = arith.muli %add3A, %mul3A_88 : i32
    %dma_start3A_90 = arith.constant 1 : i32
    %dma_start3A_91 = arith.constant 0 : i32
    %dma_start3A_92 = tpu.memref_slice %arg4[%dma_start3A_90, %mul3A_89, %dma_start3A_91] : memref<4x1024x512xf32, #tpu.memory_space<hbm>> -> memref<1x32x256xf32, #tpu.memory_space<hbm>>
    %dma_start3A_93 = tpu.memref_squeeze %dma_start3A_92 : memref<1x32x256xf32, #tpu.memory_space<hbm>> -> memref<32x256xf32, #tpu.memory_space<hbm>>
    %dma_start3A_94 = arith.constant 0 : i32
    %dma_start3A_95 = tpu.memref_slice %arg4[%dma_start3A_90, %mul3A_89, %dma_start3A_94] : memref<4x1024x512xf32, #tpu.memory_space<hbm>> -> memref<1x32x256xf32, #tpu.memory_space<hbm>>
    %dma_start3A_96 = tpu.memref_squeeze %dma_start3A_95 : memref<1x32x256xf32, #tpu.memory_space<hbm>> -> memref<32x256xf32, #tpu.memory_space<hbm>>
    tpu.enqueue_dma source(%arg5 : memref<32x256xf32, #tpu.memory_space<vmem>>) target(%dma_start3A_96 : memref<32x256xf32, #tpu.memory_space<hbm>>) target_semaphore(%arg8 : memref<!tpu.dma_semaphore, #tpu.memory_space<semaphore_mem>>)
    %mul3A_97 = arith.constant 32 : i32
    %mul3A_98 = arith.muli %add3A, %mul3A_97 : i32
    %dma_start3A_99 = arith.constant 2 : i32
    %dma_start3A_100 = arith.constant 0 : i32
    %dma_start3A_101 = tpu.memref_slice %arg4[%dma_start3A_99, %mul3A_98, %dma_start3A_100] : memref<4x1024x512xf32, #tpu.memory_space<hbm>> -> memref<1x32x256xf32, #tpu.memory_space<hbm>>
    %dma_start3A_102 = tpu.memref_squeeze %dma_start3A_101 : memref<1x32x256xf32, #tpu.memory_space<hbm>> -> memref<32x256xf32, #tpu.memory_space<hbm>>
    %dma_start3A_103 = arith.constant 0 : i32
    %dma_start3A_104 = tpu.memref_slice %arg4[%dma_start3A_99, %mul3A_98, %dma_start3A_103] : memref<4x1024x512xf32, #tpu.memory_space<hbm>> -> memref<1x32x256xf32, #tpu.memory_space<hbm>>
    %dma_start3A_105 = tpu.memref_squeeze %dma_start3A_104 : memref<1x32x256xf32, #tpu.memory_space<hbm>> -> memref<32x256xf32, #tpu.memory_space<hbm>>
    tpu.enqueue_dma source(%arg5 : memref<32x256xf32, #tpu.memory_space<vmem>>) target(%dma_start3A_105 : memref<32x256xf32, #tpu.memory_space<hbm>>) target_semaphore(%arg8 : memref<!tpu.dma_semaphore, #tpu.memory_space<semaphore_mem>>)
    %mul3A_106 = arith.constant 32 : i32
    %mul3A_107 = arith.muli %add3A, %mul3A_106 : i32
    %dma_start3A_108 = arith.constant 3 : i32
    %dma_start3A_109 = arith.constant 0 : i32
    %dma_start3A_110 = tpu.memref_slice %arg4[%dma_start3A_108, %mul3A_107, %dma_start3A_109] : memref<4x1024x512xf32, #tpu.memory_space<hbm>> -> memref<1x32x256xf32, #tpu.memory_space<hbm>>
    %dma_start3A_111 = tpu.memref_squeeze %dma_start3A_110 : memref<1x32x256xf32, #tpu.memory_space<hbm>> -> memref<32x256xf32, #tpu.memory_space<hbm>>
    %dma_start3A_112 = arith.constant 0 : i32
    %dma_start3A_113 = tpu.memref_slice %arg4[%dma_start3A_108, %mul3A_107, %dma_start3A_112] : memref<4x1024x512xf32, #tpu.memory_space<hbm>> -> memref<1x32x256xf32, #tpu.memory_space<hbm>>
    %dma_start3A_114 = tpu.memref_squeeze %dma_start3A_113 : memref<1x32x256xf32, #tpu.memory_space<hbm>> -> memref<32x256xf32, #tpu.memory_space<hbm>>
    tpu.enqueue_dma source(%arg5 : memref<32x256xf32, #tpu.memory_space<vmem>>) target(%dma_start3A_114 : memref<32x256xf32, #tpu.memory_space<hbm>>) target_semaphore(%arg8 : memref<!tpu.dma_semaphore, #tpu.memory_space<semaphore_mem>>)
    %scan3A = arith.constant 0 : i32
    %scan3A_115 = arith.constant 0 : i32
    %scan3A_116 = arith.constant 32 : i32
    %scan3A_117 = arith.addi %scan3A_115, %scan3A_116 : i32
    %scan3A_118 = arith.constant 1 : i32
    %scan3A_119 = scf.for %scan3A_228 = %scan3A_115 to %scan3A_117 step %scan3A_118 iter_args(%scan3A_229 = %scan3A) -> (i32)  : i32 {
      %swap3A = arith.index_cast %scan3A_228 : i32 to index
      %swap3A_230 = arith.constant 0 : index
      %swap3A_231 = tpu.vector_load %arg7[%swap3A, %swap3A_230] {strides = array<i32>} : memref<32x256xf32, #tpu.memory_space<vmem>>, vector<1x16xf32>,
      %swap3A_232 = vector.shape_cast %swap3A_231 : vector<1x16xf32> to vector<16xf32>
      %swap3A_233 = vector.shape_cast %get3A_4 : vector<16xf32> to vector<1x16xf32>
      tpu.vector_store %arg7[%swap3A, %swap3A_230], %swap3A_233 {strides = array<i32>} : memref<32x256xf32, #tpu.memory_space<vmem>>, vector<1x16xf32>,
      %swap3A_234 = arith.index_cast %scan3A_228 : i32 to index
      %swap3A_235 = arith.constant 16 : index
      %swap3A_236 = tpu.vector_load %arg7[%swap3A_234, %swap3A_235] {strides = array<i32>} : memref<32x256xf32, #tpu.memory_space<vmem>>, vector<1x16xf32>,
      %swap3A_237 = vector.shape_cast %swap3A_236 : vector<1x16xf32> to vector<16xf32>
      %swap3A_238 = vector.shape_cast %get3A_9 : vector<16xf32> to vector<1x16xf32>
      tpu.vector_store %arg7[%swap3A_234, %swap3A_235], %swap3A_238 {strides = array<i32>} : memref<32x256xf32, #tpu.memory_space<vmem>>, vector<1x16xf32>,
      %swap3A_239 = arith.index_cast %scan3A_228 : i32 to index
      %swap3A_240 = arith.constant 32 : index
      %swap3A_241 = tpu.vector_load %arg7[%swap3A_239, %swap3A_240] {strides = array<i32>} : memref<32x256xf32, #tpu.memory_space<vmem>>, vector<1x16xf32>,
      %swap3A_242 = vector.shape_cast %swap3A_241 : vector<1x16xf32> to vector<16xf32>
      %swap3A_243 = vector.shape_cast %get3A_14 : vector<16xf32> to vector<1x16xf32>
      tpu.vector_store %arg7[%swap3A_239, %swap3A_240], %swap3A_243 {strides = array<i32>} : memref<32x256xf32, #tpu.memory_space<vmem>>, vector<1x16xf32>,
      %swap3A_244 = arith.index_cast %scan3A_228 : i32 to index
      %swap3A_245 = arith.constant 48 : index
      %swap3A_246 = tpu.vector_load %arg7[%swap3A_244, %swap3A_245] {strides = array<i32>} : memref<32x256xf32, #tpu.memory_space<vmem>>, vector<1x16xf32>,
      %swap3A_247 = vector.shape_cast %swap3A_246 : vector<1x16xf32> to vector<16xf32>
      %swap3A_248 = vector.shape_cast %get3A_19 : vector<16xf32> to vector<1x16xf32>
      tpu.vector_store %arg7[%swap3A_244, %swap3A_245], %swap3A_248 {strides = array<i32>} : memref<32x256xf32, #tpu.memory_space<vmem>>, vector<1x16xf32>,
      %swap3A_249 = arith.index_cast %scan3A_228 : i32 to index
      %swap3A_250 = arith.constant 64 : index
      %swap3A_251 = tpu.vector_load %arg7[%swap3A_249, %swap3A_250] {strides = array<i32>} : memref<32x256xf32, #tpu.memory_space<vmem>>, vector<1x16xf32>,
      %swap3A_252 = vector.shape_cast %swap3A_251 : vector<1x16xf32> to vector<16xf32>
      %swap3A_253 = vector.shape_cast %get3A_24 : vector<16xf32> to vector<1x16xf32>
      tpu.vector_store %arg7[%swap3A_249, %swap3A_250], %swap3A_253 {strides = array<i32>} : memref<32x256xf32, #tpu.memory_space<vmem>>, vector<1x16xf32>,
      %swap3A_254 = arith.index_cast %scan3A_228 : i32 to index
      %swap3A_255 = arith.constant 80 : index
      %swap3A_256 = tpu.vector_load %arg7[%swap3A_254, %swap3A_255] {strides = array<i32>} : memref<32x256xf32, #tpu.memory_space<vmem>>, vector<1x16xf32>,
      %swap3A_257 = vector.shape_cast %swap3A_256 : vector<1x16xf32> to vector<16xf32>
      %swap3A_258 = vector.shape_cast %get3A_29 : vector<16xf32> to vector<1x16xf32>
      tpu.vector_store %arg7[%swap3A_254, %swap3A_255], %swap3A_258 {strides = array<i32>} : memref<32x256xf32, #tpu.memory_space<vmem>>, vector<1x16xf32>,
      %swap3A_259 = arith.index_cast %scan3A_228 : i32 to index
      %swap3A_260 = arith.constant 96 : index
      %swap3A_261 = tpu.vector_load %arg7[%swap3A_259, %swap3A_260] {strides = array<i32>} : memref<32x256xf32, #tpu.memory_space<vmem>>, vector<1x16xf32>,
      %swap3A_262 = vector.shape_cast %swap3A_261 : vector<1x16xf32> to vector<16xf32>
      %swap3A_263 = vector.shape_cast %get3A_34 : vector<16xf32> to vector<1x16xf32>
      tpu.vector_store %arg7[%swap3A_259, %swap3A_260], %swap3A_263 {strides = array<i32>} : memref<32x256xf32, #tpu.memory_space<vmem>>, vector<1x16xf32>,
      %swap3A_264 = arith.index_cast %scan3A_228 : i32 to index
      %swap3A_265 = arith.constant 112 : index
      %swap3A_266 = tpu.vector_load %arg7[%swap3A_264, %swap3A_265] {strides = array<i32>} : memref<32x256xf32, #tpu.memory_space<vmem>>, vector<1x16xf32>,
      %swap3A_267 = vector.shape_cast %swap3A_266 : vector<1x16xf32> to vector<16xf32>
      %swap3A_268 = vector.shape_cast %get3A_39 : vector<16xf32> to vector<1x16xf32>
      tpu.vector_store %arg7[%swap3A_264, %swap3A_265], %swap3A_268 {strides = array<i32>} : memref<32x256xf32, #tpu.memory_space<vmem>>, vector<1x16xf32>,
      %swap3A_269 = arith.index_cast %scan3A_228 : i32 to index
      %swap3A_270 = arith.constant 128 : index
      %swap3A_271 = tpu.vector_load %arg7[%swap3A_269, %swap3A_270] {strides = array<i32>} : memref<32x256xf32, #tpu.memory_space<vmem>>, vector<1x16xf32>,
      %swap3A_272 = vector.shape_cast %swap3A_271 : vector<1x16xf32> to vector<16xf32>
      %swap3A_273 = vector.shape_cast %get3A_44 : vector<16xf32> to vector<1x16xf32>
      tpu.vector_store %arg7[%swap3A_269, %swap3A_270], %swap3A_273 {strides = array<i32>} : memref<32x256xf32, #tpu.memory_space<vmem>>, vector<1x16xf32>,
      %swap3A_274 = arith.index_cast %scan3A_228 : i32 to index
      %swap3A_275 = arith.constant 144 : index
      %swap3A_276 = tpu.vector_load %arg7[%swap3A_274, %swap3A_275] {strides = array<i32>} : memref<32x256xf32, #tpu.memory_space<vmem>>, vector<1x16xf32>,
      %swap3A_277 = vector.shape_cast %swap3A_276 : vector<1x16xf32> to vector<16xf32>
      %swap3A_278 = vector.shape_cast %get3A_49 : vector<16xf32> to vector<1x16xf32>
      tpu.vector_store %arg7[%swap3A_274, %swap3A_275], %swap3A_278 {strides = array<i32>} : memref<32x256xf32, #tpu.memory_space<vmem>>, vector<1x16xf32>,
      %swap3A_279 = arith.index_cast %scan3A_228 : i32 to index
      %swap3A_280 = arith.constant 160 : index
      %swap3A_281 = tpu.vector_load %arg7[%swap3A_279, %swap3A_280] {strides = array<i32>} : memref<32x256xf32, #tpu.memory_space<vmem>>, vector<1x16xf32>,
      %swap3A_282 = vector.shape_cast %swap3A_281 : vector<1x16xf32> to vector<16xf32>
      %swap3A_283 = vector.shape_cast %get3A_54 : vector<16xf32> to vector<1x16xf32>
      tpu.vector_store %arg7[%swap3A_279, %swap3A_280], %swap3A_283 {strides = array<i32>} : memref<32x256xf32, #tpu.memory_space<vmem>>, vector<1x16xf32>,
      %swap3A_284 = arith.index_cast %scan3A_228 : i32 to index
      %swap3A_285 = arith.constant 176 : index
      %swap3A_286 = tpu.vector_load %arg7[%swap3A_284, %swap3A_285] {strides = array<i32>} : memref<32x256xf32, #tpu.memory_space<vmem>>, vector<1x16xf32>,
      %swap3A_287 = vector.shape_cast %swap3A_286 : vector<1x16xf32> to vector<16xf32>
      %swap3A_288 = vector.shape_cast %get3A_59 : vector<16xf32> to vector<1x16xf32>
      tpu.vector_store %arg7[%swap3A_284, %swap3A_285], %swap3A_288 {strides = array<i32>} : memref<32x256xf32, #tpu.memory_space<vmem>>, vector<1x16xf32>,
      %swap3A_289 = arith.index_cast %scan3A_228 : i32 to index
      %swap3A_290 = arith.constant 192 : index
      %swap3A_291 = tpu.vector_load %arg7[%swap3A_289, %swap3A_290] {strides = array<i32>} : memref<32x256xf32, #tpu.memory_space<vmem>>, vector<1x16xf32>,
      %swap3A_292 = vector.shape_cast %swap3A_291 : vector<1x16xf32> to vector<16xf32>
      %swap3A_293 = vector.shape_cast %get3A_64 : vector<16xf32> to vector<1x16xf32>
      tpu.vector_store %arg7[%swap3A_289, %swap3A_290], %swap3A_293 {strides = array<i32>} : memref<32x256xf32, #tpu.memory_space<vmem>>, vector<1x16xf32>,
      %swap3A_294 = arith.index_cast %scan3A_228 : i32 to index
      %swap3A_295 = arith.constant 208 : index
      %swap3A_296 = tpu.vector_load %arg7[%swap3A_294, %swap3A_295] {strides = array<i32>} : memref<32x256xf32, #tpu.memory_space<vmem>>, vector<1x16xf32>,
      %swap3A_297 = vector.shape_cast %swap3A_296 : vector<1x16xf32> to vector<16xf32>
      %swap3A_298 = vector.shape_cast %get3A_69 : vector<16xf32> to vector<1x16xf32>
      tpu.vector_store %arg7[%swap3A_294, %swap3A_295], %swap3A_298 {strides = array<i32>} : memref<32x256xf32, #tpu.memory_space<vmem>>, vector<1x16xf32>,
      %swap3A_299 = arith.index_cast %scan3A_228 : i32 to index
      %swap3A_300 = arith.constant 224 : index
      %swap3A_301 = tpu.vector_load %arg7[%swap3A_299, %swap3A_300] {strides = array<i32>} : memref<32x256xf32, #tpu.memory_space<vmem>>, vector<1x16xf32>,
      %swap3A_302 = vector.shape_cast %swap3A_301 : vector<1x16xf32> to vector<16xf32>
      %swap3A_303 = vector.shape_cast %get3A_74 : vector<16xf32> to vector<1x16xf32>
      tpu.vector_store %arg7[%swap3A_299, %swap3A_300], %swap3A_303 {strides = array<i32>} : memref<32x256xf32, #tpu.memory_space<vmem>>, vector<1x16xf32>,
      %swap3A_304 = arith.index_cast %scan3A_228 : i32 to index
      %swap3A_305 = arith.constant 240 : index
      %swap3A_306 = tpu.vector_load %arg7[%swap3A_304, %swap3A_305] {strides = array<i32>} : memref<32x256xf32, #tpu.memory_space<vmem>>, vector<1x16xf32>,
      %swap3A_307 = vector.shape_cast %swap3A_306 : vector<1x16xf32> to vector<16xf32>
      %swap3A_308 = vector.shape_cast %get3A_79 : vector<16xf32> to vector<1x16xf32>
      tpu.vector_store %arg7[%swap3A_304, %swap3A_305], %swap3A_308 {strides = array<i32>} : memref<32x256xf32, #tpu.memory_space<vmem>>, vector<1x16xf32>,
      %scan3A_309 = arith.constant 0 : i32
      scf.yield %scan3A_309 : i32
    }
    %scan3A_120 = arith.constant 32 : i32
    %mul3A_121 = arith.constant 32 : i32
    %mul3A_122 = arith.muli %add3A, %mul3A_121 : i32
    %dma_start3A_123 = arith.constant 0 : i32
    %dma_start3A_124 = arith.constant 256 : i32
    %dma_start3A_125 = tpu.memref_slice %arg4[%dma_start3A_123, %mul3A_122, %dma_start3A_124] : memref<4x1024x512xf32, #tpu.memory_space<hbm>> -> memref<1x32x256xf32, #tpu.memory_space<hbm>>
    %dma_start3A_126 = tpu.memref_squeeze %dma_start3A_125 : memref<1x32x256xf32, #tpu.memory_space<hbm>> -> memref<32x256xf32, #tpu.memory_space<hbm>>
    %dma_start3A_127 = arith.constant 256 : i32
    %dma_start3A_128 = tpu.memref_slice %arg4[%dma_start3A_123, %mul3A_122, %dma_start3A_127] : memref<4x1024x512xf32, #tpu.memory_space<hbm>> -> memref<1x32x256xf32, #tpu.memory_space<hbm>>
    %dma_start3A_129 = tpu.memref_squeeze %dma_start3A_128 : memref<1x32x256xf32, #tpu.memory_space<hbm>> -> memref<32x256xf32, #tpu.memory_space<hbm>>
    tpu.enqueue_dma source(%arg7 : memref<32x256xf32, #tpu.memory_space<vmem>>) target(%dma_start3A_129 : memref<32x256xf32, #tpu.memory_space<hbm>>) target_semaphore(%arg8 : memref<!tpu.dma_semaphore, #tpu.memory_space<semaphore_mem>>)
    %mul3A_130 = arith.constant 32 : i32
    %mul3A_131 = arith.muli %add3A, %mul3A_130 : i32
    %dma_start3A_132 = arith.constant 1 : i32
    %dma_start3A_133 = arith.constant 256 : i32
    %dma_start3A_134 = tpu.memref_slice %arg4[%dma_start3A_132, %mul3A_131, %dma_start3A_133] : memref<4x1024x512xf32, #tpu.memory_space<hbm>> -> memref<1x32x256xf32, #tpu.memory_space<hbm>>
    %dma_start3A_135 = tpu.memref_squeeze %dma_start3A_134 : memref<1x32x256xf32, #tpu.memory_space<hbm>> -> memref<32x256xf32, #tpu.memory_space<hbm>>
    %dma_start3A_136 = arith.constant 256 : i32
    %dma_start3A_137 = tpu.memref_slice %arg4[%dma_start3A_132, %mul3A_131, %dma_start3A_136] : memref<4x1024x512xf32, #tpu.memory_space<hbm>> -> memref<1x32x256xf32, #tpu.memory_space<hbm>>
    %dma_start3A_138 = tpu.memref_squeeze %dma_start3A_137 : memref<1x32x256xf32, #tpu.memory_space<hbm>> -> memref<32x256xf32, #tpu.memory_space<hbm>>
    tpu.enqueue_dma source(%arg7 : memref<32x256xf32, #tpu.memory_space<vmem>>) target(%dma_start3A_138 : memref<32x256xf32, #tpu.memory_space<hbm>>) target_semaphore(%arg8 : memref<!tpu.dma_semaphore, #tpu.memory_space<semaphore_mem>>)
    %mul3A_139 = arith.constant 32 : i32
    %mul3A_140 = arith.muli %add3A, %mul3A_139 : i32
    %dma_start3A_141 = arith.constant 2 : i32
    %dma_start3A_142 = arith.constant 256 : i32
    %dma_start3A_143 = tpu.memref_slice %arg4[%dma_start3A_141, %mul3A_140, %dma_start3A_142] : memref<4x1024x512xf32, #tpu.memory_space<hbm>> -> memref<1x32x256xf32, #tpu.memory_space<hbm>>
    %dma_start3A_144 = tpu.memref_squeeze %dma_start3A_143 : memref<1x32x256xf32, #tpu.memory_space<hbm>> -> memref<32x256xf32, #tpu.memory_space<hbm>>
    %dma_start3A_145 = arith.constant 256 : i32
    %dma_start3A_146 = tpu.memref_slice %arg4[%dma_start3A_141, %mul3A_140, %dma_start3A_145] : memref<4x1024x512xf32, #tpu.memory_space<hbm>> -> memref<1x32x256xf32, #tpu.memory_space<hbm>>
    %dma_start3A_147 = tpu.memref_squeeze %dma_start3A_146 : memref<1x32x256xf32, #tpu.memory_space<hbm>> -> memref<32x256xf32, #tpu.memory_space<hbm>>
    tpu.enqueue_dma source(%arg7 : memref<32x256xf32, #tpu.memory_space<vmem>>) target(%dma_start3A_147 : memref<32x256xf32, #tpu.memory_space<hbm>>) target_semaphore(%arg8 : memref<!tpu.dma_semaphore, #tpu.memory_space<semaphore_mem>>)
    %mul3A_148 = arith.constant 32 : i32
    %mul3A_149 = arith.muli %add3A, %mul3A_148 : i32
    %dma_start3A_150 = arith.constant 3 : i32
    %dma_start3A_151 = arith.constant 256 : i32
    %dma_start3A_152 = tpu.memref_slice %arg4[%dma_start3A_150, %mul3A_149, %dma_start3A_151] : memref<4x1024x512xf32, #tpu.memory_space<hbm>> -> memref<1x32x256xf32, #tpu.memory_space<hbm>>
    %dma_start3A_153 = tpu.memref_squeeze %dma_start3A_152 : memref<1x32x256xf32, #tpu.memory_space<hbm>> -> memref<32x256xf32, #tpu.memory_space<hbm>>
    %dma_start3A_154 = arith.constant 256 : i32
    %dma_start3A_155 = tpu.memref_slice %arg4[%dma_start3A_150, %mul3A_149, %dma_start3A_154] : memref<4x1024x512xf32, #tpu.memory_space<hbm>> -> memref<1x32x256xf32, #tpu.memory_space<hbm>>
    %dma_start3A_156 = tpu.memref_squeeze %dma_start3A_155 : memref<1x32x256xf32, #tpu.memory_space<hbm>> -> memref<32x256xf32, #tpu.memory_space<hbm>>
    tpu.enqueue_dma source(%arg7 : memref<32x256xf32, #tpu.memory_space<vmem>>) target(%dma_start3A_156 : memref<32x256xf32, #tpu.memory_space<hbm>>) target_semaphore(%arg8 : memref<!tpu.dma_semaphore, #tpu.memory_space<semaphore_mem>>)
    %mul3A_157 = arith.constant 32 : i32
    %mul3A_158 = arith.muli %add3A, %mul3A_157 : i32
    %dma_wait3A = arith.constant 0 : i32
    %dma_wait3A_159 = arith.constant 0 : i32
    %dma_wait3A_160 = tpu.memref_slice %arg4[%dma_wait3A, %mul3A_158, %dma_wait3A_159] : memref<4x1024x512xf32, #tpu.memory_space<hbm>> -> memref<1x32x256xf32, #tpu.memory_space<hbm>>
    %dma_wait3A_161 = tpu.memref_squeeze %dma_wait3A_160 : memref<1x32x256xf32, #tpu.memory_space<hbm>> -> memref<32x256xf32, #tpu.memory_space<hbm>>
    %dma_wait3A_162 = arith.constant 0 : i32
    %dma_wait3A_163 = tpu.memref_slice %arg4[%dma_wait3A, %mul3A_158, %dma_wait3A_162] : memref<4x1024x512xf32, #tpu.memory_space<hbm>> -> memref<1x32x256xf32, #tpu.memory_space<hbm>>
    %dma_wait3A_164 = tpu.memref_squeeze %dma_wait3A_163 : memref<1x32x256xf32, #tpu.memory_space<hbm>> -> memref<32x256xf32, #tpu.memory_space<hbm>>
    tpu.wait_dma2 semaphore(%arg8 : memref<!tpu.dma_semaphore, #tpu.memory_space<semaphore_mem>>) src(%arg5 : memref<32x256xf32, #tpu.memory_space<vmem>>) dst(%dma_wait3A_164 : memref<32x256xf32, #tpu.memory_space<hbm>>)
    %mul3A_165 = arith.constant 32 : i32
    %mul3A_166 = arith.muli %add3A, %mul3A_165 : i32
    %dma_wait3A_167 = arith.constant 0 : i32
    %dma_wait3A_168 = arith.constant 256 : i32
    %dma_wait3A_169 = tpu.memref_slice %arg4[%dma_wait3A_167, %mul3A_166, %dma_wait3A_168] : memref<4x1024x512xf32, #tpu.memory_space<hbm>> -> memref<1x32x256xf32, #tpu.memory_space<hbm>>
    %dma_wait3A_170 = tpu.memref_squeeze %dma_wait3A_169 : memref<1x32x256xf32, #tpu.memory_space<hbm>> -> memref<32x256xf32, #tpu.memory_space<hbm>>
    %dma_wait3A_171 = arith.constant 256 : i32
    %dma_wait3A_172 = tpu.memref_slice %arg4[%dma_wait3A_167, %mul3A_166, %dma_wait3A_171] : memref<4x1024x512xf32, #tpu.memory_space<hbm>> -> memref<1x32x256xf32, #tpu.memory_space<hbm>>
    %dma_wait3A_173 = tpu.memref_squeeze %dma_wait3A_172 : memref<1x32x256xf32, #tpu.memory_space<hbm>> -> memref<32x256xf32, #tpu.memory_space<hbm>>
    tpu.wait_dma2 semaphore(%arg8 : memref<!tpu.dma_semaphore, #tpu.memory_space<semaphore_mem>>) src(%arg7 : memref<32x256xf32, #tpu.memory_space<vmem>>) dst(%dma_wait3A_173 : memref<32x256xf32, #tpu.memory_space<hbm>>)
    %mul3A_174 = arith.constant 32 : i32
    %mul3A_175 = arith.muli %add3A, %mul3A_174 : i32
    %dma_wait3A_176 = arith.constant 1 : i32
    %dma_wait3A_177 = arith.constant 0 : i32
    %dma_wait3A_178 = tpu.memref_slice %arg4[%dma_wait3A_176, %mul3A_175, %dma_wait3A_177] : memref<4x1024x512xf32, #tpu.memory_space<hbm>> -> memref<1x32x256xf32, #tpu.memory_space<hbm>>
    %dma_wait3A_179 = tpu.memref_squeeze %dma_wait3A_178 : memref<1x32x256xf32, #tpu.memory_space<hbm>> -> memref<32x256xf32, #tpu.memory_space<hbm>>
    %dma_wait3A_180 = arith.constant 0 : i32
    %dma_wait3A_181 = tpu.memref_slice %arg4[%dma_wait3A_176, %mul3A_175, %dma_wait3A_180] : memref<4x1024x512xf32, #tpu.memory_space<hbm>> -> memref<1x32x256xf32, #tpu.memory_space<hbm>>
    %dma_wait3A_182 = tpu.memref_squeeze %dma_wait3A_181 : memref<1x32x256xf32, #tpu.memory_space<hbm>> -> memref<32x256xf32, #tpu.memory_space<hbm>>
    tpu.wait_dma2 semaphore(%arg8 : memref<!tpu.dma_semaphore, #tpu.memory_space<semaphore_mem>>) src(%arg5 : memref<32x256xf32, #tpu.memory_space<vmem>>) dst(%dma_wait3A_182 : memref<32x256xf32, #tpu.memory_space<hbm>>)
    %mul3A_183 = arith.constant 32 : i32
    %mul3A_184 = arith.muli %add3A, %mul3A_183 : i32
    %dma_wait3A_185 = arith.constant 1 : i32
    %dma_wait3A_186 = arith.constant 256 : i32
    %dma_wait3A_187 = tpu.memref_slice %arg4[%dma_wait3A_185, %mul3A_184, %dma_wait3A_186] : memref<4x1024x512xf32, #tpu.memory_space<hbm>> -> memref<1x32x256xf32, #tpu.memory_space<hbm>>
    %dma_wait3A_188 = tpu.memref_squeeze %dma_wait3A_187 : memref<1x32x256xf32, #tpu.memory_space<hbm>> -> memref<32x256xf32, #tpu.memory_space<hbm>>
    %dma_wait3A_189 = arith.constant 256 : i32
    %dma_wait3A_190 = tpu.memref_slice %arg4[%dma_wait3A_185, %mul3A_184, %dma_wait3A_189] : memref<4x1024x512xf32, #tpu.memory_space<hbm>> -> memref<1x32x256xf32, #tpu.memory_space<hbm>>
    %dma_wait3A_191 = tpu.memref_squeeze %dma_wait3A_190 : memref<1x32x256xf32, #tpu.memory_space<hbm>> -> memref<32x256xf32, #tpu.memory_space<hbm>>
    tpu.wait_dma2 semaphore(%arg8 : memref<!tpu.dma_semaphore, #tpu.memory_space<semaphore_mem>>) src(%arg7 : memref<32x256xf32, #tpu.memory_space<vmem>>) dst(%dma_wait3A_191 : memref<32x256xf32, #tpu.memory_space<hbm>>)
    %mul3A_192 = arith.constant 32 : i32
    %mul3A_193 = arith.muli %add3A, %mul3A_192 : i32
    %dma_wait3A_194 = arith.constant 2 : i32
    %dma_wait3A_195 = arith.constant 0 : i32
    %dma_wait3A_196 = tpu.memref_slice %arg4[%dma_wait3A_194, %mul3A_193, %dma_wait3A_195] : memref<4x1024x512xf32, #tpu.memory_space<hbm>> -> memref<1x32x256xf32, #tpu.memory_space<hbm>>
    %dma_wait3A_197 = tpu.memref_squeeze %dma_wait3A_196 : memref<1x32x256xf32, #tpu.memory_space<hbm>> -> memref<32x256xf32, #tpu.memory_space<hbm>>
    %dma_wait3A_198 = arith.constant 0 : i32
    %dma_wait3A_199 = tpu.memref_slice %arg4[%dma_wait3A_194, %mul3A_193, %dma_wait3A_198] : memref<4x1024x512xf32, #tpu.memory_space<hbm>> -> memref<1x32x256xf32, #tpu.memory_space<hbm>>
    %dma_wait3A_200 = tpu.memref_squeeze %dma_wait3A_199 : memref<1x32x256xf32, #tpu.memory_space<hbm>> -> memref<32x256xf32, #tpu.memory_space<hbm>>
    tpu.wait_dma2 semaphore(%arg8 : memref<!tpu.dma_semaphore, #tpu.memory_space<semaphore_mem>>) src(%arg5 : memref<32x256xf32, #tpu.memory_space<vmem>>) dst(%dma_wait3A_200 : memref<32x256xf32, #tpu.memory_space<hbm>>)
    %mul3A_201 = arith.constant 32 : i32
    %mul3A_202 = arith.muli %add3A, %mul3A_201 : i32
    %dma_wait3A_203 = arith.constant 2 : i32
    %dma_wait3A_204 = arith.constant 256 : i32
    %dma_wait3A_205 = tpu.memref_slice %arg4[%dma_wait3A_203, %mul3A_202, %dma_wait3A_204] : memref<4x1024x512xf32, #tpu.memory_space<hbm>> -> memref<1x32x256xf32, #tpu.memory_space<hbm>>
    %dma_wait3A_206 = tpu.memref_squeeze %dma_wait3A_205 : memref<1x32x256xf32, #tpu.memory_space<hbm>> -> memref<32x256xf32, #tpu.memory_space<hbm>>
    %dma_wait3A_207 = arith.constant 256 : i32
    %dma_wait3A_208 = tpu.memref_slice %arg4[%dma_wait3A_203, %mul3A_202, %dma_wait3A_207] : memref<4x1024x512xf32, #tpu.memory_space<hbm>> -> memref<1x32x256xf32, #tpu.memory_space<hbm>>
    %dma_wait3A_209 = tpu.memref_squeeze %dma_wait3A_208 : memref<1x32x256xf32, #tpu.memory_space<hbm>> -> memref<32x256xf32, #tpu.memory_space<hbm>>
    tpu.wait_dma2 semaphore(%arg8 : memref<!tpu.dma_semaphore, #tpu.memory_space<semaphore_mem>>) src(%arg7 : memref<32x256xf32, #tpu.memory_space<vmem>>) dst(%dma_wait3A_209 : memref<32x256xf32, #tpu.memory_space<hbm>>)
    %mul3A_210 = arith.constant 32 : i32
    %mul3A_211 = arith.muli %add3A, %mul3A_210 : i32
    %dma_wait3A_212 = arith.constant 3 : i32
    %dma_wait3A_213 = arith.constant 0 : i32
    %dma_wait3A_214 = tpu.memref_slice %arg4[%dma_wait3A_212, %mul3A_211, %dma_wait3A_213] : memref<4x1024x512xf32, #tpu.memory_space<hbm>> -> memref<1x32x256xf32, #tpu.memory_space<hbm>>
    %dma_wait3A_215 = tpu.memref_squeeze %dma_wait3A_214 : memref<1x32x256xf32, #tpu.memory_space<hbm>> -> memref<32x256xf32, #tpu.memory_space<hbm>>
    %dma_wait3A_216 = arith.constant 0 : i32
    %dma_wait3A_217 = tpu.memref_slice %arg4[%dma_wait3A_212, %mul3A_211, %dma_wait3A_216] : memref<4x1024x512xf32, #tpu.memory_space<hbm>> -> memref<1x32x256xf32, #tpu.memory_space<hbm>>
    %dma_wait3A_218 = tpu.memref_squeeze %dma_wait3A_217 : memref<1x32x256xf32, #tpu.memory_space<hbm>> -> memref<32x256xf32, #tpu.memory_space<hbm>>
    tpu.wait_dma2 semaphore(%arg8 : memref<!tpu.dma_semaphore, #tpu.memory_space<semaphore_mem>>) src(%arg5 : memref<32x256xf32, #tpu.memory_space<vmem>>) dst(%dma_wait3A_218 : memref<32x256xf32, #tpu.memory_space<hbm>>)
    %mul3A_219 = arith.constant 32 : i32
    %mul3A_220 = arith.muli %add3A, %mul3A_219 : i32
    %dma_wait3A_221 = arith.constant 3 : i32
    %dma_wait3A_222 = arith.constant 256 : i32
    %dma_wait3A_223 = tpu.memref_slice %arg4[%dma_wait3A_221, %mul3A_220, %dma_wait3A_222] : memref<4x1024x512xf32, #tpu.memory_space<hbm>> -> memref<1x32x256xf32, #tpu.memory_space<hbm>>
    %dma_wait3A_224 = tpu.memref_squeeze %dma_wait3A_223 : memref<1x32x256xf32, #tpu.memory_space<hbm>> -> memref<32x256xf32, #tpu.memory_space<hbm>>
    %dma_wait3A_225 = arith.constant 256 : i32
    %dma_wait3A_226 = tpu.memref_slice %arg4[%dma_wait3A_221, %mul3A_220, %dma_wait3A_225] : memref<4x1024x512xf32, #tpu.memory_space<hbm>> -> memref<1x32x256xf32, #tpu.memory_space<hbm>>
    %dma_wait3A_227 = tpu.memref_squeeze %dma_wait3A_226 : memref<1x32x256xf32, #tpu.memory_space<hbm>> -> memref<32x256xf32, #tpu.memory_space<hbm>>
    tpu.wait_dma2 semaphore(%arg8 : memref<!tpu.dma_semaphore, #tpu.memory_space<semaphore_mem>>) src(%arg7 : memref<32x256xf32, #tpu.memory_space<vmem>>) dst(%dma_wait3A_227 : memref<32x256xf32, #tpu.memory_space<hbm>>)
    return
  }
}

</mosaic_0001>

<sc_bundles>
// kernel: _pos_sc.3.cloned.1.call-start
scs
__scs_entry_jumppad:
0x0: {  	(pc) =	sbr.rel $0x88, $3  }
0x1: {  	(tag) =	ssettag $0x0;
	lr =	simm.s32 $0x1  }
0x2: {  	[smem:$0x3F9F] =	sst lr;
	_ =	strace $0xD0000000  }
0x3: {  	_ = 	snop  }
0x4: {  	_ = 	snop  }
0x5: {  	_ = 	snop  }
0x6: {  	_ = 	snop  }
0x7: {  	_ = 	snop  }
__scs_overlays_trampoline_lowered:
0x8: {  	[smem:$0x3FAE] =	sst s0  }
0x9: {  	[smem:$0x3FAF] =	sst s1  }
0xa: {  	[smem:$0x3FB0] =	sst s2  }
0xb: {  	[smem:$0x3FB1] =	sst s3  }
0xc: {  	[smem:$0x3FB2] =	sst s4  }
0xd: {  	[smem:$0x3FB3] =	sst s5  }
0xe: {  	[smem:$0x3FB4] =	sst s6  }
0xf: {  	[smem:$0x3FB5] =	sst s7  }
0x10: {  	[smem:$0x3FB6] =	sst s8  }
0x11: {  	[smem:$0x3FB7] =	sst s9;
	s0 =	simm.s32 @!p0 $0x0  }
0x12: {  	s1 =	sld [smem:$0x3F9D];
	s0 =	simm.s32 @p0 $0x1  }
0x13: {  	[smem:$0x3FB8] =	sst s0;
	s0 =	simm.s32 @!p1 $0x0  }
0x14: {  	s2 =	sld [smem:$0x3F9C];
	s0 =	simm.s32 @p1 $0x1  }
0x15: {  	[smem:$0x3FB9] =	sst s0;
	s0 =	simm.s32 @!p2 $0x0  }
0x16: {  	s3 =	sld [smem:$0x3FDB];
	s0 =	simm.s32 @p2 $0x1  }
0x17: {  	s4 =	simm.s32 $0x1BF5;
	[smem:$0x3FBB] =	sst s0  }
0x18: {  	s0 =	sld [smem:$0x3F9E];
	_ =	swait.ge [sflag:s4], $0x0  }
0x19: {  	s7 =	sld [smem:$0x3F9F]  }
0x1a: {  	s8 =	sadd.s32 $0xFFFFE003, lr  }
0x1b: {  	s9 =	sadd.s32 $0xFFFFFEF7, lr;
	s5 =	simm.s32 $0xFFFFFFFF;
	p2 =	slt.u32 s8, $0xFFFFF086  }
0x1c: {  	p1 =	slt.u32 s9, $0xF7A;
	s5 =	simm.s32 @!p2 $0x0  }
0x1d: {  	s5 =	simm.s32 @p1 $0x1;
	p0 =	seq.s32 s7, s2  }
0x1e: {  	s7 =	smul.u32 @!p0 $0xF7A, s2;
	p2 =	seq.s32 @!p0 s5, $0x0  }
0x1f: {  	s9 =	smul.u32 $0xF7A, s1;
	s8 =	simm.s32 @!p0 $0x1BF5;
	p2 =	por !p2, p0  }
0x20: {  	[sflag:s8] =	ssyncset.s32 @!p0 $0xFFFFF086;
	s6 =	sadd.s32 @!p0 s3, s7;
	s7 =	simm.s32 @!p0 $0x108  }
0x21: {  	s3 =	sadd.s32 s3, s9;
	s6 =	sadd.s32 @!p0 $0x88, s6;
	s7 =	simm.s32 @p2 $0x1082  }
0x22: {  	[simem:s7], [sflag:s8] =	dma.local @!p0 [hbm:s6], $0xF7A  }
0x23: {  	s9 =	sor.u32 $0xD0000000, s2;
	s6 =	simm.s32 $0x108;
	_ =	swait.ge @!p0 [sflag:s8], $0x0  }
0x24: {  	s3 =	sadd.s32 $0x88, s3;
	s6 =	simm.s32 @!p1 $0x1082;
	[sflag:s4] =	ssyncset.s32 $0xFFFFF086  }
0x25: {  	[simem:s6], [sflag:s4] =	dma.local [hbm:s3], $0xF7A  }
0x26: {  	[smem:$0x3F9F] =	sst s1;
	(tag) =	ssettag s2;
	_ =	strace s9  }
0x27: {  	s1 =	sld [smem:$0x3FAF]  }
0x28: {  	s2 =	sld [smem:$0x3FB0]  }
0x29: {  	s4 =	sld [smem:$0x3FB2]  }
0x2a: {  	p0 =	seq.s32 s5, $0x0;
	s5 =	sld [smem:$0x3FB3]  }
0x2b: {  	s6 =	sld [smem:$0x3FB4]  }
0x2c: {  	s7 =	sld [smem:$0x3FB5]  }
0x2d: {  	s3 =	simm.s32 $0x108;
	s8 =	sld [smem:$0x3FB6]  }
0x2e: {  	s3 =	simm.s32 @!p0 $0x1082;
	s9 =	sld [smem:$0x3FB7]  }
0x2f: {  	lr =	sadd.s32 s0, s3;
	s0 =	sld [smem:$0x3FAE]  }
0x30: {  	s3 =	sld [smem:$0x3FB1]  }
0x31: {  	[smem:$0x3FBA] =	sst s10  }
0x32: {  	s10 =	sld [smem:$0x3FB8];
	_ =	sdelay $0x3  }
0x33: {  	p0 =	seq.s32 s10, $0x1;
	s10 =	sld [smem:$0x3FBA];
	_ =	sdelay $0x3  }
0x34: {  	[smem:$0x3FBA] =	sst s10  }
0x35: {  	s10 =	sld [smem:$0x3FB9];
	_ =	sdelay $0x3  }
0x36: {  	p1 =	seq.s32 s10, $0x1;
	s10 =	sld [smem:$0x3FBA];
	_ =	sdelay $0x3  }
0x37: {  	[smem:$0x3FBA] =	sst s10  }
0x38: {  	s10 =	sld [smem:$0x3FBB]  }
0x39: {  	_ = 	snop;
	(pc) =	sbr.ind lr, $3  }
0x3a: {  	_ = 	snop  }
0x3b: {  	_ = 	snop  }
0x3c: {  	p2 =	seq.s32 s10, $0x1;
	s10 =	sld [smem:$0x3FBA]  }
0x3d: {  	_ =	shalt  }
0x3e: {  	_ =	shalt  }
0x3f: {  	_ =	shalt  }
0x40: {  	_ =	shalt  }
0x41: {  	_ =	shalt  }
0x42: {  	_ =	shalt  }
0x43: {  	_ =	shalt  }
0x44: {  	_ =	shalt  }
0x45: {  	_ =	shalt  }
0x46: {  	_ =	shalt  }
0x47: {  	_ =	shalt  }
0x48: {  	_ =	shalt  }
0x49: {  	_ =	shalt  }
0x4a: {  	_ =	shalt  }
0x4b: {  	_ =	shalt  }
0x4c: {  	_ =	shalt  }
0x4d: {  	_ =	shalt  }
0x4e: {  	_ =	shalt  }
0x4f: {  	_ =	shalt  }
0x50: {  	_ =	shalt  }
0x51: {  	_ =	shalt  }
0x52: {  	_ =	shalt  }
0x53: {  	_ =	shalt  }
0x54: {  	_ =	shalt  }
0x55: {  	_ =	shalt  }
0x56: {  	_ =	shalt  }
0x57: {  	_ =	shalt  }
0x58: {  	_ =	shalt  }
0x59: {  	_ =	shalt  }
0x5a: {  	_ =	shalt  }
0x5b: {  	_ =	shalt  }
0x5c: {  	_ =	shalt  }
0x5d: {  	_ =	shalt  }
0x5e: {  	_ =	shalt  }
0x5f: {  	_ =	shalt  }
0x60: {  	_ =	shalt  }
0x61: {  	_ =	shalt  }
0x62: {  	_ =	shalt  }
0x63: {  	_ =	shalt  }
0x64: {  	_ =	shalt  }
0x65: {  	_ =	shalt  }
0x66: {  	_ =	shalt  }
0x67: {  	_ =	shalt  }
0x68: {  	_ =	shalt  }
0x69: {  	_ =	shalt  }
0x6a: {  	_ =	shalt  }
0x6b: {  	_ =	shalt  }
0x6c: {  	_ =	shalt  }
0x6d: {  	_ =	shalt  }
0x6e: {  	_ =	shalt  }
0x6f: {  	_ =	shalt  }
0x70: {  	_ =	shalt  }
0x71: {  	_ =	shalt  }
0x72: {  	_ =	shalt  }
0x73: {  	_ =	shalt  }
0x74: {  	_ =	shalt  }
0x75: {  	_ =	shalt  }
0x76: {  	_ =	shalt  }
0x77: {  	_ =	shalt  }
0x78: {  	_ =	shalt  }
0x79: {  	_ =	shalt  }
0x7a: {  	_ =	shalt  }
0x7b: {  	_ =	shalt  }
0x7c: {  	_ =	shalt  }
0x7d: {  	_ =	shalt  }
0x7e: {  	_ =	shalt  }
0x7f: {  	_ =	shalt  }
0x80: {  	_ =	shalt  }
0x81: {  	_ =	shalt  }
0x82: {  	_ =	shalt  }
0x83: {  	_ =	shalt  }
0x84: {  	_ =	shalt  }
0x85: {  	_ =	shalt  }
0x86: {  	_ =	shalt  }
0x87: {  	_ =	shalt  }
.Lfunc_end0:
.L_simem_size_0:
called_computation_lowered:
.L_overlay_start_0:
0x88: {  	s2 =	sld [smem:$0x3FD9]  }
0x89: {  	s3 =	sld [smem:$0x3FFE];
	_ =	sdelay $0x1  }
0x8a: {  	s1 =	srdreg.scid  }
0x8b: {  	s0 =	sand.u32 $0x1, s1  }
0x8c: {  	s18 =	sshll.u32 s0, $0xA;
	s2 =	sadd.s32 s3, s2  }
0x8d: {  	s2 =	sadd.s32 s2, s18  }
0x8e: {  	[smem:$0x3FC6] =	sst s2  }
0x8f: {  	_ = 	snop  }
0x90: {  	s2 =	sld [smem:$0x3FC9]  }
0x91: {  	s19 =	sld [smem:$0x3FC8]  }
0x92: {  	s4 =	sld [smem:$0x3FD0];
	(tm) =	ssettm $0x1  }
0x93: {  	s5 =	sld [smem:$0x3FFB];
	_ =	sdelay $0x3  }
0x94: {  	_ =	strace s5  }
0x95: {  	s5 =	sld [smem:$0x3FFC];
	_ =	sdelay $0x3  }
0x96: {  	_ =	strace s5  }
0x97: {  	s5 =	sld [smem:$0x3FFD];
	_ =	sdelay $0x3  }
0x98: {  	_ =	strace s5  }
0x99: {  	_ =	strace $0x8FFFFFFF  }
0x9a: {  	s20 =	sld [smem:$0x3FDB];
	_ =	sdelay $0x1  }
0x9b: {  	s6 =	simm.s32 $_scs_section_size  }
0x9c: {  	s7 =	simm.s32 $_size__tile_overlayer_lowered;
	s8 =	simm.s32 $_tile_overlayer_lowered  }
0x9d: {  	s23 =	simm.s32 $0x1BFF;
	s22 =	sshll.u32 s8, $0x1;
	s5 =	sadd.s32 s6, s20  }
0x9e: {  	s9 =	simm.s32 $0x0;
	s21 =	sshll.u32 s7, $0x1;
	s7 =	sadd.s32 s22, s5  }
0x9f: {  	[timem:s9], [sflag:s23] =	dma.local [hbm:s7], s21  }
0xa0: {  	_ =	swait.ge [sflag:s23], s21  }
0xa1: {  	s6 =	ssub.s32 $0x0, s21;
	[sflag:s23] =	ssyncset.done $0x0  }
0xa2: {  	[sflag:s23] =	ssyncadd.s32 s6;
	_ =	sdelay $0x1  }
0xa3: {  	s24 =	simm.s32 $0x1B8B  }
0xa4: {  	_ =	swait.ge [sflag:s24], $0x1  }
0xa5: {  	[sflag:s24] =	ssyncset.done $0x0  }
0xa6: {  	s25 =	simm.s32 $0x1B8E;
	[sflag:s24] =	ssyncadd.s32 $0xFFFFFFFF  }
0xa7: {  	s26 =	simm.s32 $execute0_lowered;
	[smem:$0x3FD2] =	sst s25  }
0xa8: {  	s6 =	sshll.u32 s26, $0x1;
	_ =	strace $0x80000046;
	[dreg:$0x1] =	wrdreg $0xFFFFFFFF  }
0xa9: {  	s28 =	simm.s32 $_size_execute0_lowered;
	s5 =	sadd.s32 s5, s6;
	[dreg:$0x0] =	wrdreg $0x0  }
0xaa: {  	s6 =	sshll.u32 s28, $0x1;
	[dreg:$0x2] =	wrdreg s5  }
0xab: {  	[dreg:$0x3] =	wrdreg s6  }
0xac: {  	[dreg:$0x4] =	wrdreg $0xC0  }
0xad: {  	_ =	task [dreg:s9], $0x5FFFF  }
0xae: {  	[dreg:$0x1] =	wrdreg $0xFFFFFFFF  }
0xaf: {  	[dreg:$0x0] =	wrdreg $0x60  }
0xb0: {  	[dreg:$0x2] =	wrdreg s2  }
0xb1: {  	[dreg:$0x3] =	wrdreg s19  }
0xb2: {  	[dreg:$0x4] =	wrdreg s4  }
0xb3: {  	[dreg:$0x5] =	wrdreg $0x9  }
0xb4: {  	_ =	task.clear_ibuf [dreg:s9], $0x6FFFF;
	_ =	strace $0x90000046  }
0xb5: {  	s29 =	simm.s32 $0x9;
	_ =	strace $0x80000048  }
0xb6: {  	_ =	swait.ge [sflag:s29], $0x1  }
0xb7: {  	[sflag:s29] =	ssyncadd.s32 $0xFFFFFFFF  }
0xb8: {  	_ =	strace $0x90000048  }
0xb9: {  	_ =	sfence  }
0xba: {  	s30 =	sld [smem:$0x0];
	_ =	sdelay $0x2  }
0xbb: {  	s31 =	sshll.u32 s1, $0xD;
	s1 =	sshrl.u32 s1, $0x2  }
0xbc: {  	s3 =	sand.u32 $0x4000, s31;
	s1 =	sadd.s32 s1, s30  }
0xbd: {  	s0 =	sor.u32 s3, s0;
	s1 =	sshll.u32 s1, $0x11  }
0xbe: {  	s0 =	sor.u32 s1, s0  }
0xbf: {  	s0 =	sadd.s32 $0x8F2B, s0  }
0xc0: {  	[sflag:s0] =	ssyncadd.remote.s32 $0x1  }
0xc1: {  	_ =	sfence.sel $0xFFFF  }
0xc2: {  	[dreg:$0x0] =	wrdreg $0xFFFFFFFF;
	(pc) =	sbr.abs _section_cstart, $3  }
0xc3: {  	[dreg:$0x1] =	wrdreg $0xFFFFFFFF  }
0xc4: {  	_ =	task.clear_ibuf [dreg:s9], $0x2FFFF;
	_ =	strace $0x9FFFFFFF  }
0xc5: {  	(tm) =	ssettm $0x7FFFFFFF  }
tec
execute0_lowered:
.L_overlay_start_1:
0x0: {  	(tag) =	ssettag $0x1  }
0x1: {  	s1 =	rddreg [dreg:$0x0]  }
0x2: {  	s4 =	rddreg [dreg:$0x1]  }
0x3: {  	s5 =	rddreg [dreg:$0x2];
	s2 =	srdreg.scid  }
0x4: {  	s0 =	rddreg [dreg:$0x3];
	s3 =	simm.s32 $0x0;
	s14 =	simm.s32 $0x2  }
0x5: {  	s15 =	simm.s32 $0x80;
	s16 =	simm.s32 $0x400;
	s17 =	simm.s32 $0x2000  }
0x6: {  	s18 =	simm.s32 $0x800;
	s19 =	simm.s32 $0x1000;
	s20 =	simm.s32 $0x2100  }
0x7: {  	s21 =	simm.s32 $0x1;
	s22 =	simm.s32 $0x0;
	s6 =	sand.u32 $0x1, s2  }
0x8: {  	[smem:$0x7FF] =	sst s3;
	s2 =	stileid.u32;
	s7 =	ssub.s32 $0x2, s6  }
0x9: {  	_ =	strace $0x80000047;
	s9 =	sshll.u32 s2, $0x1;
	s8 =	sshrl.u32 s7, $0x1  }
0xa: {  	s30 =	sshll.u32 s2, $0x6;
	s6 =	sor.u32 s6, s9;
	s13 =	ssub.s32 s7, s8  }
0xb: {  	s7 =	sand.u32 $0x300, s30;
	s31 =	sshll.u32 s6, $0x4;
	s6 =	sshll.u32 s6, $0xB  }
0xc: {  	s8 =	sand.u32 $0x70, s31;
	s7 =	sadd.s32 s4, s7;
	s4 =	sadd.s32 s5, s6  }
0xd: {  	s13 =	smax.u32 s13, $0x1;
	s5 =	sadd.s32 s8, s7;
	s6 =	sadd.s32 $0x10000, s4  }
0xe: {  	s7 =	sadd.s32 $0x20000, s4;
	s8 =	sadd.s32 $0x30000, s4;
	s9 =	sadd.s32 $0x100, s4  }
0xf: {  	s10 =	sadd.s32 $0x10100, s4;
	s11 =	sadd.s32 $0x20100, s4;
	s12 =	sadd.s32 $0x30100, s4  }
.LBB2_1:
0x10: {  	[tilespmem:s3], [sflag:$0x2] =	stream.linear.gather [hbm4b:s1+s3], $0x2000, $0x38;
	[tilespmem:$0x4100] =	vst v63  }
0x11: {  	_ =	swait.ge [sflag:s14], $0x2000  }
0x12: {  	[sflag:s14] =	ssyncset.done $0x0  }
0x13: {  	[sflag:s14] =	ssyncadd.s32 $0xFFFFE000  }
0x14: {  	[tilespmem:s17], [sflag:$0x2] =	stream.strided.gather [hbm4b:s5+s15], $0x100, s16, s15, $0x38;
	[tilespmem:$0x4100] =	vst v63  }
0x15: {  	_ =	swait.ge [sflag:s14], $0x100  }
0x16: {  	[sflag:s14] =	ssyncset.done $0x0  }
0x17: {  	[sflag:s14] =	ssyncadd.s32 $0xFFFFFF00  }
0x18: {  	v0 =	vld [tilespmem:$0x2000]  }
0x19: {  	v1 =	vld [tilespmem:$0x2010]  }
0x1a: {  	v2 =	vld [tilespmem:$0x2020]  }
0x1b: {  	v3 =	vld [tilespmem:$0x2030]  }
0x1c: {  	v4 =	vld [tilespmem:$0x2040]  }
0x1d: {  	v5 =	vld [tilespmem:$0x2050]  }
0x1e: {  	v6 =	vld [tilespmem:$0x2060]  }
0x1f: {  	v7 =	vld [tilespmem:$0x2070]  }
0x20: {  	v8 =	vld [tilespmem:$0x2080]  }
0x21: {  	v9 =	vld [tilespmem:$0x2090]  }
0x22: {  	v10 =	vld [tilespmem:$0x20A0]  }
0x23: {  	v11 =	vld [tilespmem:$0x20B0]  }
0x24: {  	v12 =	vld [tilespmem:$0x20C0]  }
0x25: {  	v13 =	vld [tilespmem:$0x20D0]  }
0x26: {  	v14 =	vld [tilespmem:$0x20E0]  }
0x27: {  	v15 =	vld [tilespmem:$0x20F0];
	[hbm4b:s4+s18] =	stream.strided.scatter [tilespmem:s3], [sflag:$0x1], $0x2000, s19, s18, $0x38  }
0x28: {  	_ = 	snop  }
0x29: {  	[hbm4b:s6+s18] =	stream.strided.scatter [tilespmem:s3], [sflag:$0x1], $0x2000, s19, s18, $0x38;
	[tilespmem:$0x4100] =	vst v63  }
0x2a: {  	s23 =	sand.u32 $0x1800, s3;
	s24 =	sand.u32 $0x380, s3  }
0x2b: {  	[hbm4b:s7+s18] =	stream.strided.scatter [tilespmem:s3], [sflag:$0x1], $0x2000, s19, s18, $0x38;
	[tilespmem:$0x4100] =	vst v63  }
0x2c: {  	s23 =	sor.u32 s24, s23  }
0x2d: {  	[hbm4b:s8+s18] =	stream.strided.scatter [tilespmem:s3], [sflag:$0x1], $0x2000, s19, s18, $0x38;
	[tilespmem:$0x4100] =	vst v63  }
0x2e: {  	[tilespmem:s23+$0x2570] =	vst v15  }
0x2f: {  	[tilespmem:s23+$0x2100] =	vst v0  }
0x30: {  	[tilespmem:s23+$0x2110] =	vst v1  }
0x31: {  	[tilespmem:s23+$0x2120] =	vst v2  }
0x32: {  	[tilespmem:s23+$0x2130] =	vst v3  }
0x33: {  	[tilespmem:s23+$0x2140] =	vst v4  }
0x34: {  	[tilespmem:s23+$0x2150] =	vst v5  }
0x35: {  	[tilespmem:s23+$0x2160] =	vst v6  }
0x36: {  	[tilespmem:s23+$0x2170] =	vst v7  }
0x37: {  	[tilespmem:s23+$0x2500] =	vst v8  }
0x38: {  	[tilespmem:s23+$0x2510] =	vst v9  }
0x39: {  	[tilespmem:s23+$0x2520] =	vst v10  }
0x3a: {  	[tilespmem:s23+$0x2530] =	vst v11  }
0x3b: {  	s25 =	simm.s32 $0x100;
	s24 =	simm.s32 $0x80;
	[tilespmem:s23+$0x2540] =	vst v12  }
0x3c: {  	s26 =	sand.u32 $0x1800, s25;
	s25 =	simm.s32 $0x200;
	s28 =	sand.u32 $0x380, s24;
	[tilespmem:s23+$0x2550] =	vst v13  }
.LBB2_2:
0x3d: {  	p0 =	sne.s32 s25, $0x1F00;
	[tilespmem:s23+$0x2560] =	vst v14;
	s23 =	sor.u32 s28, s26  }
0x3e: {  	[tilespmem:s23+$0x2570] =	vst v15  }
0x3f: {  	[tilespmem:s23+$0x2100] =	vst v0  }
0x40: {  	[tilespmem:s23+$0x2110] =	vst v1  }
0x41: {  	[tilespmem:s23+$0x2120] =	vst v2  }
0x42: {  	[tilespmem:s23+$0x2130] =	vst v3  }
0x43: {  	[tilespmem:s23+$0x2140] =	vst v4  }
0x44: {  	[tilespmem:s23+$0x2150] =	vst v5  }
0x45: {  	[tilespmem:s23+$0x2160] =	vst v6  }
0x46: {  	[tilespmem:s23+$0x2170] =	vst v7  }
0x47: {  	[tilespmem:s23+$0x2500] =	vst v8  }
.Ltmp0:
0x48: {  	[tilespmem:s23+$0x2510] =	vst v9;
	(pc) =	sbr.rel @p0 .LBB2_2-.Ltmp0, $4  }
0x49: {  	[tilespmem:s23+$0x2520] =	vst v10  }
0x4a: {  	[tilespmem:s23+$0x2530] =	vst v11  }
0x4b: {  	s24 =	sadd.s32 $0x80, s24;
	[tilespmem:s23+$0x2540] =	vst v12  }
0x4c: {  	s26 =	sand.u32 $0x1800, s25;
	s25 =	sadd.s32 $0x100, s25;
	s28 =	sand.u32 $0x380, s24;
	[tilespmem:s23+$0x2550] =	vst v13  }
0x4d: {  	s24 =	sor.u32 s28, s26;
	[tilespmem:s23+$0x2560] =	vst v14  }
0x4e: {  	[tilespmem:s24+$0x2570] =	vst v15  }
0x4f: {  	[tilespmem:s24+$0x2100] =	vst v0  }
0x50: {  	[tilespmem:s24+$0x2110] =	vst v1  }
0x51: {  	[tilespmem:s24+$0x2120] =	vst v2  }
0x52: {  	[tilespmem:s24+$0x2130] =	vst v3  }
0x53: {  	[tilespmem:s24+$0x2140] =	vst v4  }
0x54: {  	[tilespmem:s24+$0x2150] =	vst v5  }
0x55: {  	[tilespmem:s24+$0x2160] =	vst v6  }
0x56: {  	[tilespmem:s24+$0x2170] =	vst v7  }
0x57: {  	[tilespmem:s24+$0x2500] =	vst v8  }
0x58: {  	[tilespmem:s24+$0x2510] =	vst v9  }
0x59: {  	[tilespmem:s24+$0x2520] =	vst v10  }
0x5a: {  	[tilespmem:s24+$0x2530] =	vst v11  }
0x5b: {  	[tilespmem:s24+$0x2540] =	vst v12  }
0x5c: {  	[tilespmem:s24+$0x2550] =	vst v13  }
0x5d: {  	[tilespmem:s24+$0x2560] =	vst v14  }
0x5e: {  	[hbm4b:s9+s18] =	stream.strided.scatter [tilespmem:s20], [sflag:$0x1], $0x2000, s19, s18, $0x38;
	[tilespmem:$0x4100] =	vst v63  }
0x5f: {  	_ = 	snop  }
0x60: {  	[hbm4b:s10+s18] =	stream.strided.scatter [tilespmem:s20], [sflag:$0x1], $0x2000, s19, s18, $0x38;
	[tilespmem:$0x4100] =	vst v63  }
0x61: {  	_ = 	snop  }
0x62: {  	[hbm4b:s11+s18] =	stream.strided.scatter [tilespmem:s20], [sflag:$0x1], $0x2000, s19, s18, $0x38;
	[tilespmem:$0x4100] =	vst v63  }
0x63: {  	_ = 	snop  }
0x64: {  	[hbm4b:s12+s18] =	stream.strided.scatter [tilespmem:s20], [sflag:$0x1], $0x2000, s19, s18, $0x38;
	[tilespmem:$0x4100] =	vst v63  }
0x65: {  	_ =	swait.ge [sflag:s21], $0x2000  }
0x66: {  	[sflag:s21] =	ssyncset.done $0x0  }
0x67: {  	[sflag:s21] =	ssyncadd.s32 $0xFFFFE000  }
0x68: {  	_ =	swait.ge [sflag:s21], $0x2000  }
0x69: {  	[sflag:s21] =	ssyncset.done $0x0  }
0x6a: {  	[sflag:s21] =	ssyncadd.s32 $0xFFFFE000  }
0x6b: {  	_ =	swait.ge [sflag:s21], $0x2000  }
0x6c: {  	[sflag:s21] =	ssyncset.done $0x0  }
0x6d: {  	[sflag:s21] =	ssyncadd.s32 $0xFFFFE000  }
0x6e: {  	_ =	swait.ge [sflag:s21], $0x2000  }
0x6f: {  	[sflag:s21] =	ssyncset.done $0x0  }
0x70: {  	[sflag:s21] =	ssyncadd.s32 $0xFFFFE000  }
0x71: {  	_ =	swait.ge [sflag:s21], $0x2000  }
0x72: {  	[sflag:s21] =	ssyncset.done $0x0  }
0x73: {  	[sflag:s21] =	ssyncadd.s32 $0xFFFFE000  }
0x74: {  	_ =	swait.ge [sflag:s21], $0x2000  }
0x75: {  	[sflag:s21] =	ssyncset.done $0x0  }
0x76: {  	s22 =	sadd.s32 $0x1, s22;
	[sflag:s21] =	ssyncadd.s32 $0xFFFFE000  }
0x77: {  	p0 =	sne.s32 s22, s13;
	_ =	swait.ge [sflag:s21], $0x2000  }
.Ltmp1:
0x78: {  	[sflag:s21] =	ssyncset.done $0x0;
	(pc) =	sbr.rel @p0 .LBB2_1-.Ltmp1, $4  }
0x79: {  	[sflag:s21] =	ssyncadd.s32 $0xFFFFE000  }
0x7a: {  	_ =	swait.ge [sflag:s21], $0x2000  }
0x7b: {  	[sflag:s21] =	ssyncset.done $0x0  }
0x7c: {  	[sflag:s21] =	ssyncadd.s32 $0xFFFFE000  }
0x7d: {  	_ =	sfence.sel $0x180000  }
0x7e: {  	[bflag:$0x0] =	sbarrier.arrive $0xFFFF  }
0x7f: {  	p0 =	sne.s32 s2, $0x0;
	_ =	strace $0x90000047  }
0x80: {  	s0 =	sadd.s32 @!p0 $0x100000, s0;
	[bflag:$0x2] =	sbarrier.arrive $0xFFFF  }
0x81: {  	[sflag:s0] =	ssyncadd.tile.s32 @!p0 $0x1;
	_ =	shalt  }
.Lfunc_end2:
_tile_overlayer_lowered:
.L_overlay_start_2:
0x82: {  	(tag) =	ssettag $0x2  }
0x83: {  	s0 =	rddreg [dreg:$0x0];
	s2 =	stileid.u32  }
0x84: {  	s1 =	rddreg [dreg:$0x1];
	p0 =	sne.s32 s2, $0x0  }
0x85: {  	s3 =	rddreg [dreg:$0x2];
	[bflag:$0x3] =	sbarrier.arrive $0xFFFF;
	s2 =	simm.s32 @!p0 $0x1C02  }
0x86: {  	[timem:s3], [sflag:s2] =	dma.local @!p0 [hbm:s0], s1  }
0x87: {  	s0 =	simm.s32 @!p0 $0x2  }
0x88: {  	_ =	swait.ge @!p0 [sflag:s0], s1  }
0x89: {  	s1 =	ssub.s32 @!p0 $0x0, s1;
	[sflag:s0] =	ssyncset.done @!p0 $0x0  }
0x8a: {  	[sflag:s0] =	ssyncadd.s32 @!p0 s1  }
0x8b: {  	[bflag:$0x3] =	sbarrier.arrive $0xFFFF  }
0x8c: {  	_ =	shalt  }

</sc_bundles>
